<compile_context>
chip_gen: v7x
topology: tpu7x:2x2x1
jax: 0.10.2.dev20260603
libtpu: 0.0.44.dev20260713+nightly
codegen_flags: <defaults>
</compile_context>

<pallas_src>
import functools

import jax
import jax.numpy as jnp
from jax import lax
from jax.experimental import pallas as pl
from jax.experimental.pallas import tpu as pltpu
from jax.experimental.pallas import tpu_sc as plsc

D_MODEL = 1024
MAX_SEQ_LEN = 2048
BATCH = 16
TJ = 2048

_SC_INFO = plsc.get_sparse_core_info()
L = _SC_INFO.num_lanes


def _pos_sc_body(lenrep_hbm, out_hbm, len_v, pos_v):
    b = lax.axis_index("s")
    pltpu.sync_copy(lenrep_hbm.at[b], len_v)
    len_vec = len_v[...]
    def _step(k, _):
        col = k * L + lax.iota(jnp.int32, L)
        pos_v[pl.ds(k * L, L)] = jnp.where(col < len_vec, col + 1, 0)
        return _

    lax.fori_loop(0, MAX_SEQ_LEN // L, _step, 0)
    pltpu.sync_copy(pos_v, out_hbm.at[b])


@functools.partial(
    pl.kernel,
    out_type=jax.ShapeDtypeStruct((BATCH, MAX_SEQ_LEN), jnp.int32),
    mesh=plsc.VectorSubcoreMesh(
        core_axis_name="c", subcore_axis_name="s", num_cores=1
    ),
    scratch_types=[
        pltpu.VMEM((L,), jnp.int32),
        pltpu.VMEM((MAX_SEQ_LEN,), jnp.int32),
    ],
)
def _pos_sc(lenrep_hbm, out_hbm, len_v, pos_v):
    _pos_sc_body(lenrep_hbm, out_hbm, len_v, pos_v)


def _emb_body(len_ref, pe_ref, emb_ref):
    j = pl.program_id(0)
    b = pl.program_id(1)
    len_b = len_ref[b]

    @pl.when(len_b >= (j + 1) * TJ)
    def _copy():
        emb_ref[0] = pe_ref[...]

    @pl.when(len_b <= j * TJ)
    def _zero():
        emb_ref[0] = jnp.zeros((TJ, D_MODEL), jnp.float32)

    @pl.when(jnp.logical_and(len_b > j * TJ, len_b < (j + 1) * TJ))
    def _straddle():
        rows = j * TJ + jax.lax.broadcasted_iota(jnp.int32, (TJ, 1), 0)
        emb_ref[0] = jnp.where(rows < len_b, pe_ref[...], 0.0)


def kernel(input_len, pe_table):
    lenrep = jnp.broadcast_to(input_len[:, None], (BATCH, L))
    pos = _pos_sc(lenrep)

    pe = pe_table[1:]
    nj = MAX_SEQ_LEN // TJ
    emb = pl.pallas_call(
        _emb_body,
        grid=(nj, BATCH),
        in_specs=[
            pl.BlockSpec(memory_space=pltpu.SMEM),
            pl.BlockSpec((TJ, D_MODEL), lambda j, b: (j, 0)),
        ],
        out_specs=pl.BlockSpec((1, TJ, D_MODEL), lambda j, b: (b, j, 0)),
        out_shape=jax.ShapeDtypeStruct((BATCH, MAX_SEQ_LEN, D_MODEL), jnp.float32),
    )(input_len, pe)
    return (emb, pos)

# --- scband reference (transcript-rebuilt; emitter-appended) ---
"""Pipeline reference for scband-positional-encoding-13185549598720 (READ-ONLY COPY).

The authoritative reference and input builder live on the scoring server;
editing this copy changes nothing except your own understanding.
"""

import jax, jax.numpy as jnp
import numpy as np

D_MODEL = 1024
MAX_SEQ_LEN = 2048
BATCH = 16


def _build_pe_table():
    j = np.arange(D_MODEL)
    pos = np.arange(MAX_SEQ_LEN)[:, None].astype(np.float64)
    pe = pos / np.power(10000.0, 2.0 * (j // 2) / D_MODEL)
    pe[:, 0::2] = np.sin(pe[:, 0::2])
    pe[:, 1::2] = np.cos(pe[:, 1::2])
    pad_row = np.zeros((1, D_MODEL))
    pe = np.concatenate([pad_row, pe], axis=0).astype(np.float32)
    return jnp.asarray(pe)


def setup_inputs(seed: int = 0) -> dict:
    key = jax.random.key(seed)
    input_len = jax.random.randint(key, (BATCH,), 0, MAX_SEQ_LEN, dtype=jnp.int32)
    pe_table = _build_pe_table()  # [MAX_SEQ_LEN + 1, D_MODEL], frozen parameter
    return {"input_len": input_len, "pe_table": pe_table}


def reference(input_len, pe_table):
    # Vectorized equivalent of the torch double loop:
    # pos[ind, j] = j + 1 if j < input_len[ind] else 0
    col = jnp.arange(MAX_SEQ_LEN, dtype=jnp.int32)
    mask = col[None, :] < input_len[:, None]
    input_pos = jnp.where(mask, col[None, :] + 1, 0)  # [B, MAX_SEQ_LEN] int
    emb = jnp.take(pe_table, input_pos, axis=0)  # gather -> [B, MAX_SEQ_LEN, D_MODEL]
    return (emb, input_pos)

if __name__ == "__main__":
    import jax
    _d = setup_inputs()
    print(jax.jit(kernel)(*tuple(_d.values())))

</pallas_src>

<mosaic_0001>
#map = affine_map<(d0, d1) -> (0, 0)>
module attributes {stable_mosaic.version = 14 : i64} {
  func.func @_pos_sc(%arg0: i32, %arg1: i32, %arg2: memref<16x16xi32, #tpu.memory_space<hbm>>, %arg3: memref<16x2048xi32, #tpu.memory_space<hbm>>, %arg4: memref<16xi32, #tpu.memory_space<vmem>>, %arg5: memref<2048xi32, #tpu.memory_space<vmem>>) attributes {dimension_semantics = [#tpu.dimension_semantics<core_parallel>, #tpu.dimension_semantics<subcore_parallel>], iteration_bounds = array<i64: 1, 16>, scalar_prefetch = 0 : i64, scratch_operands = 2 : i64, tpu.core_type = #tpu.core_type<sc_vector_subcore>, window_params = [{transform_indices = #map}, {transform_indices = #map}]} {
    "tpu.region"() ({
      %run_scoped3A = tpu.sem_alloc : memref<!tpu.dma_semaphore, #tpu.memory_space<semaphore_mem>>
      %dma_start3A = arith.constant 0 : i32
      %dma_start3A_7 = tpu.memref_slice %arg2[%arg1, %dma_start3A] : memref<16x16xi32, #tpu.memory_space<hbm>> -> memref<1x16xi32, #tpu.memory_space<hbm>>
      %dma_start3A_8 = tpu.memref_squeeze %dma_start3A_7 : memref<1x16xi32, #tpu.memory_space<hbm>> -> memref<16xi32, #tpu.memory_space<hbm>>
      %dma_start3A_9 = arith.constant 0 : i32
      %dma_start3A_10 = tpu.memref_slice %arg2[%arg1, %dma_start3A_9] : memref<16x16xi32, #tpu.memory_space<hbm>> -> memref<1x16xi32, #tpu.memory_space<hbm>>
      %dma_start3A_11 = tpu.memref_squeeze %dma_start3A_10 : memref<1x16xi32, #tpu.memory_space<hbm>> -> memref<16xi32, #tpu.memory_space<hbm>>
      tpu.enqueue_dma source(%dma_start3A_11 : memref<16xi32, #tpu.memory_space<hbm>>) target(%arg4 : memref<16xi32, #tpu.memory_space<vmem>>) target_semaphore(%run_scoped3A : memref<!tpu.dma_semaphore, #tpu.memory_space<semaphore_mem>>)
      %dma_wait3A = arith.constant 0 : i32
      %dma_wait3A_12 = tpu.memref_slice %arg2[%arg1, %dma_wait3A] : memref<16x16xi32, #tpu.memory_space<hbm>> -> memref<1x16xi32, #tpu.memory_space<hbm>>
      %dma_wait3A_13 = tpu.memref_squeeze %dma_wait3A_12 : memref<1x16xi32, #tpu.memory_space<hbm>> -> memref<16xi32, #tpu.memory_space<hbm>>
      %dma_wait3A_14 = arith.constant 0 : i32
      %dma_wait3A_15 = tpu.memref_slice %arg2[%arg1, %dma_wait3A_14] : memref<16x16xi32, #tpu.memory_space<hbm>> -> memref<1x16xi32, #tpu.memory_space<hbm>>
      %dma_wait3A_16 = tpu.memref_squeeze %dma_wait3A_15 : memref<1x16xi32, #tpu.memory_space<hbm>> -> memref<16xi32, #tpu.memory_space<hbm>>
      tpu.wait_dma2 semaphore(%run_scoped3A : memref<!tpu.dma_semaphore, #tpu.memory_space<semaphore_mem>>) src(%dma_wait3A_16 : memref<16xi32, #tpu.memory_space<hbm>>) dst(%arg4 : memref<16xi32, #tpu.memory_space<vmem>>)
      tpu.yield
    }) : () -> ()
    %get3A = arith.constant 0 : index
    %get3A_0 = tpu.vector_load %arg4[%get3A] {strides = array<i32>} : memref<16xi32, #tpu.memory_space<vmem>>, vector<16xi32>,
    %get3A_1 = vector.shape_cast %get3A_0 : vector<16xi32> to vector<16xi32>
    %scan3A = arith.constant 0 : i32
    %scan3A_2 = arith.constant 0 : i32
    %scan3A_3 = arith.constant 128 : i32
    %scan3A_4 = arith.addi %scan3A_2, %scan3A_3 : i32
    %scan3A_5 = arith.constant 1 : i32
    scf.for %scan3A_7 = %scan3A_2 to %scan3A_4 step %scan3A_5  : i32 {
      %mul3A = arith.constant 16 : i32
      %mul3A_8 = arith.muli %scan3A_7, %mul3A : i32
      %iota3A = tpu.iota {dimensions = array<i32: 0>} : vector<16xi32>
      %add3A = vector.broadcast %mul3A_8 : i32 to vector<16xi32>
      %add3A_9 = arith.addi %add3A, %iota3A : vector<16xi32>
      %lt3A = arith.cmpi slt, %add3A_9, %get3A_1 : vector<16xi32>
      %add3A_10 = arith.constant 1 : i32
      %add3A_11 = vector.broadcast %add3A_10 : i32 to vector<16xi32>
      %add3A_12 = arith.addi %add3A_9, %add3A_11 : vector<16xi32>
      %jit3A = arith.constant 0 : i32
      %broadcast_in_dim3A = vector.broadcast %jit3A : i32 to vector<16xi32>
      %select_n3A = arith.select %lt3A, %add3A_12, %broadcast_in_dim3A : vector<16xi1>, vector<16xi32>
      %mul3A_13 = arith.constant 16 : i32
      %mul3A_14 = arith.muli %scan3A_7, %mul3A_13 : i32
      %swap3A = arith.index_cast %mul3A_14 : i32 to index
      %swap3A_15 = tpu.vector_load %arg5[%swap3A] {strides = array<i32>} : memref<2048xi32, #tpu.memory_space<vmem>>, vector<16xi32>,
      %swap3A_16 = vector.shape_cast %swap3A_15 : vector<16xi32> to vector<16xi32>
      %swap3A_17 = vector.shape_cast %select_n3A : vector<16xi32> to vector<16xi32>
      tpu.vector_store %arg5[%swap3A], %swap3A_17 {strides = array<i32>} : memref<2048xi32, #tpu.memory_space<vmem>>, vector<16xi32>,
    }
    %scan3A_6 = arith.constant 128 : i32
    "tpu.region"() ({
      %run_scoped3A = tpu.sem_alloc : memref<!tpu.dma_semaphore, #tpu.memory_space<semaphore_mem>>
      %dma_start3A = arith.constant 0 : i32
      %dma_start3A_7 = tpu.memref_slice %arg3[%arg1, %dma_start3A] : memref<16x2048xi32, #tpu.memory_space<hbm>> -> memref<1x2048xi32, #tpu.memory_space<hbm>>
      %dma_start3A_8 = tpu.memref_squeeze %dma_start3A_7 : memref<1x2048xi32, #tpu.memory_space<hbm>> -> memref<2048xi32, #tpu.memory_space<hbm>>
      %dma_start3A_9 = arith.constant 0 : i32
      %dma_start3A_10 = tpu.memref_slice %arg3[%arg1, %dma_start3A_9] : memref<16x2048xi32, #tpu.memory_space<hbm>> -> memref<1x2048xi32, #tpu.memory_space<hbm>>
      %dma_start3A_11 = tpu.memref_squeeze %dma_start3A_10 : memref<1x2048xi32, #tpu.memory_space<hbm>> -> memref<2048xi32, #tpu.memory_space<hbm>>
      tpu.enqueue_dma source(%arg5 : memref<2048xi32, #tpu.memory_space<vmem>>) target(%dma_start3A_11 : memref<2048xi32, #tpu.memory_space<hbm>>) target_semaphore(%run_scoped3A : memref<!tpu.dma_semaphore, #tpu.memory_space<semaphore_mem>>)
      %dma_wait3A = arith.constant 0 : i32
      %dma_wait3A_12 = tpu.memref_slice %arg3[%arg1, %dma_wait3A] : memref<16x2048xi32, #tpu.memory_space<hbm>> -> memref<1x2048xi32, #tpu.memory_space<hbm>>
      %dma_wait3A_13 = tpu.memref_squeeze %dma_wait3A_12 : memref<1x2048xi32, #tpu.memory_space<hbm>> -> memref<2048xi32, #tpu.memory_space<hbm>>
      %dma_wait3A_14 = arith.constant 0 : i32
      %dma_wait3A_15 = tpu.memref_slice %arg3[%arg1, %dma_wait3A_14] : memref<16x2048xi32, #tpu.memory_space<hbm>> -> memref<1x2048xi32, #tpu.memory_space<hbm>>
      %dma_wait3A_16 = tpu.memref_squeeze %dma_wait3A_15 : memref<1x2048xi32, #tpu.memory_space<hbm>> -> memref<2048xi32, #tpu.memory_space<hbm>>
      tpu.wait_dma2 semaphore(%run_scoped3A : memref<!tpu.dma_semaphore, #tpu.memory_space<semaphore_mem>>) src(%arg5 : memref<2048xi32, #tpu.memory_space<vmem>>) dst(%dma_wait3A_16 : memref<2048xi32, #tpu.memory_space<hbm>>)
      tpu.yield
    }) : () -> ()
    return
  }
}

module attributes {stable_mosaic.version = 14 : i64} {
  func.func @_emb_body(%arg0: i32, %arg1: i32, %arg2: memref<16xi32, #tpu.memory_space<smem>>, %arg3: memref<2048x1024xf32, #tpu.memory_space<vmem>>, %arg4: memref<1x2048x1024xf32, #tpu.memory_space<vmem>>) attributes {dimension_semantics = [#tpu.dimension_semantics<arbitrary>, #tpu.dimension_semantics<arbitrary>], iteration_bounds = array<i64: 1, 16>, scalar_prefetch = 0 : i64, scratch_operands = 0 : i64, tpu.core_type = #tpu.core_type<tc>, window_params = [{transform_indices = @transform_0, window_bounds = array<i64: 16>}, {transform_indices = @transform_1, window_bounds = array<i64: 2048, 1024>}, {transform_indices = @transform_2, window_bounds = array<i64: 1, 2048, 1024>}]} {
    %get3A = arith.index_cast %arg1 : i32 to index
    %get3A_0 = memref.load %arg2[%get3A] : memref<16xi32, #tpu.memory_space<smem>>
    %add3A = arith.constant 1 : i32
    %add3A_1 = arith.addi %arg0, %add3A : i32
    %mul3A = arith.constant 2048 : i32
    %mul3A_2 = arith.muli %add3A_1, %mul3A : i32
    %ge3A = arith.cmpi sge, %get3A_0, %mul3A_2 : i32
    %convert_element_type3A = arith.extui %ge3A : i1 to i32
    %cond3A = arith.constant 0 : i32
    %cond3A_3 = arith.cmpi ne, %convert_element_type3A, %cond3A : i32
    scf.if %cond3A_3 {
      %get3A_18 = arith.constant 0 : index
      %get3A_19 = arith.constant 0 : index
      %get3A_20 = vector.load %arg3[%get3A_18, %get3A_19] : memref<2048x1024xf32, #tpu.memory_space<vmem>>, vector<2048x1024xf32>
      %swap3A = arith.constant 0 : index
      %swap3A_21 = arith.constant 0 : index
      %swap3A_22 = arith.constant 0 : index
      %swap3A_23 = vector.load %arg4[%swap3A, %swap3A_21, %swap3A_22] : memref<1x2048x1024xf32, #tpu.memory_space<vmem>>, vector<1x2048x1024xf32>
      %swap3A_24 = vector.shape_cast %swap3A_23 : vector<1x2048x1024xf32> to vector<2048x1024xf32>
      %swap3A_25 = vector.shape_cast %get3A_20 : vector<2048x1024xf32> to vector<1x2048x1024xf32>
      tpu.vector_store %arg4[%swap3A, %swap3A_21, %swap3A_22], %swap3A_25 {strides = array<i32>} : memref<1x2048x1024xf32, #tpu.memory_space<vmem>>, vector<1x2048x1024xf32>,
    } else {
    }
    %mul3A_4 = arith.constant 2048 : i32
    %mul3A_5 = arith.muli %arg0, %mul3A_4 : i32
    %le3A = arith.cmpi sle, %get3A_0, %mul3A_5 : i32
    %convert_element_type3A_6 = arith.extui %le3A : i1 to i32
    %cond3A_7 = arith.constant 0 : i32
    %cond3A_8 = arith.cmpi ne, %convert_element_type3A_6, %cond3A_7 : i32
    scf.if %cond3A_8 {
      %broadcast_in_dim3A = arith.constant 0.000000e+00 : f32
      %broadcast_in_dim3A_18 = vector.broadcast %broadcast_in_dim3A : f32 to vector<2048x1024xf32>
      %swap3A = arith.constant 0 : index
      %swap3A_19 = arith.constant 0 : index
      %swap3A_20 = arith.constant 0 : index
      %swap3A_21 = vector.load %arg4[%swap3A, %swap3A_19, %swap3A_20] : memref<1x2048x1024xf32, #tpu.memory_space<vmem>>, vector<1x2048x1024xf32>
      %swap3A_22 = vector.shape_cast %swap3A_21 : vector<1x2048x1024xf32> to vector<2048x1024xf32>
      %swap3A_23 = vector.shape_cast %broadcast_in_dim3A_18 : vector<2048x1024xf32> to vector<1x2048x1024xf32>
      tpu.vector_store %arg4[%swap3A, %swap3A_19, %swap3A_20], %swap3A_23 {strides = array<i32>} : memref<1x2048x1024xf32, #tpu.memory_space<vmem>>, vector<1x2048x1024xf32>,
    } else {
    }
    %mul3A_9 = arith.constant 2048 : i32
    %mul3A_10 = arith.muli %arg0, %mul3A_9 : i32
    %gt3A = arith.cmpi sgt, %get3A_0, %mul3A_10 : i32
    %add3A_11 = arith.constant 1 : i32
    %add3A_12 = arith.addi %arg0, %add3A_11 : i32
    %mul3A_13 = arith.constant 2048 : i32
    %mul3A_14 = arith.muli %add3A_12, %mul3A_13 : i32
    %lt3A = arith.cmpi slt, %get3A_0, %mul3A_14 : i32
    %and3A = arith.andi %gt3A, %lt3A : i1
    %convert_element_type3A_15 = arith.extui %and3A : i1 to i32
    %cond3A_16 = arith.constant 0 : i32
    %cond3A_17 = arith.cmpi ne, %convert_element_type3A_15, %cond3A_16 : i32
    scf.if %cond3A_17 {
      %mul3A_18 = arith.constant 2048 : i32
      %mul3A_19 = arith.muli %arg0, %mul3A_18 : i32
      %iota3A = tpu.iota {dimensions = array<i32: 0>} : vector<2048x1xi32>
      %add3A_20 = vector.broadcast %mul3A_19 : i32 to vector<2048x1xi32>
      %add3A_21 = arith.addi %add3A_20, %iota3A : vector<2048x1xi32>
      %lt3A_22 = vector.broadcast %get3A_0 : i32 to vector<2048x1xi32>
      %lt3A_23 = arith.cmpi slt, %add3A_21, %lt3A_22 : vector<2048x1xi32>
      %get3A_24 = arith.constant 0 : index
      %get3A_25 = arith.constant 0 : index
      %get3A_26 = vector.load %arg3[%get3A_24, %get3A_25] : memref<2048x1024xf32, #tpu.memory_space<vmem>>, vector<2048x1024xf32>
      %jit3A = arith.constant 0.000000e+00 : f32
      %broadcast_in_dim3A = vector.shape_cast %lt3A_23 : vector<2048x1xi1> to vector<2048x1xi1>
      %broadcast_in_dim3A_27 = vector.broadcast %broadcast_in_dim3A : vector<2048x1xi1> to vector<2048x1024xi1>
      %broadcast_in_dim3A_28 = vector.broadcast %jit3A : f32 to vector<2048x1024xf32>
      %select_n3A = arith.select %broadcast_in_dim3A_27, %get3A_26, %broadcast_in_dim3A_28 : vector<2048x1024xi1>, vector<2048x1024xf32>
      %swap3A = arith.constant 0 : index
      %swap3A_29 = arith.constant 0 : index
      %swap3A_30 = arith.constant 0 : index
      %swap3A_31 = vector.load %arg4[%swap3A, %swap3A_29, %swap3A_30] : memref<1x2048x1024xf32, #tpu.memory_space<vmem>>, vector<1x2048x1024xf32>
      %swap3A_32 = vector.shape_cast %swap3A_31 : vector<1x2048x1024xf32> to vector<2048x1024xf32>
      %swap3A_33 = vector.shape_cast %select_n3A : vector<2048x1024xf32> to vector<1x2048x1024xf32>
      tpu.vector_store %arg4[%swap3A, %swap3A_29, %swap3A_30], %swap3A_33 {strides = array<i32>} : memref<1x2048x1024xf32, #tpu.memory_space<vmem>>, vector<1x2048x1024xf32>,
    } else {
    }
    return
  }
  func.func @transform_0(%arg0: i32, %arg1: i32) -> i32 {
    %c0_i32 = arith.constant 0 : i32
    %c0_i32_0 = arith.constant 0 : i32
    return %c0_i32 : i32
  }
  func.func @transform_1(%arg0: i32, %arg1: i32) -> (i32, i32) {
    %c0_i32 = arith.constant 0 : i32
    %c0_i32_0 = arith.constant 0 : i32
    return %arg0, %c0_i32 : i32, i32
  }
  func.func @transform_2(%arg0: i32, %arg1: i32) -> (i32, i32, i32) {
    %c0_i32 = arith.constant 0 : i32
    %c0_i32_0 = arith.constant 0 : i32
    return %arg1, %arg0, %c0_i32 : i32, i32, i32
  }
}

</mosaic_0001>

<sc_bundles>
// kernel: kernel.4.cloned.1.call-start
scs
__scs_entry_jumppad:
0x0: {  	(pc) =	sbr.rel $0x88, $3  }
0x1: {  	(tag) =	ssettag $0x0;
	lr =	simm.s32 $0x1  }
0x2: {  	[smem:$0x3F9F] =	sst lr;
	_ =	strace $0xD0000000  }
0x3: {  	_ = 	snop  }
0x4: {  	_ = 	snop  }
0x5: {  	_ = 	snop  }
0x6: {  	_ = 	snop  }
0x7: {  	_ = 	snop  }
__scs_overlays_trampoline_lowered:
0x8: {  	[smem:$0x3FAE] =	sst s0  }
0x9: {  	[smem:$0x3FAF] =	sst s1  }
0xa: {  	[smem:$0x3FB0] =	sst s2  }
0xb: {  	[smem:$0x3FB1] =	sst s3  }
0xc: {  	[smem:$0x3FB2] =	sst s4  }
0xd: {  	[smem:$0x3FB3] =	sst s5  }
0xe: {  	[smem:$0x3FB4] =	sst s6  }
0xf: {  	[smem:$0x3FB5] =	sst s7  }
0x10: {  	[smem:$0x3FB6] =	sst s8  }
0x11: {  	[smem:$0x3FB7] =	sst s9;
	s0 =	simm.s32 @!p0 $0x0  }
0x12: {  	s1 =	sld [smem:$0x3F9D];
	s0 =	simm.s32 @p0 $0x1  }
0x13: {  	[smem:$0x3FB8] =	sst s0;
	s0 =	simm.s32 @!p1 $0x0  }
0x14: {  	s2 =	sld [smem:$0x3F9C];
	s0 =	simm.s32 @p1 $0x1  }
0x15: {  	[smem:$0x3FB9] =	sst s0;
	s0 =	simm.s32 @!p2 $0x0  }
0x16: {  	s3 =	sld [smem:$0x3FDB];
	s0 =	simm.s32 @p2 $0x1  }
0x17: {  	s4 =	simm.s32 $0x1BF5;
	[smem:$0x3FBB] =	sst s0  }
0x18: {  	s0 =	sld [smem:$0x3F9E];
	_ =	swait.ge [sflag:s4], $0x0  }
0x19: {  	s7 =	sld [smem:$0x3F9F]  }
0x1a: {  	s8 =	sadd.s32 $0xFFFFE003, lr  }
0x1b: {  	s9 =	sadd.s32 $0xFFFFFEF7, lr;
	s5 =	simm.s32 $0xFFFFFFFF;
	p2 =	slt.u32 s8, $0xFFFFF086  }
0x1c: {  	p1 =	slt.u32 s9, $0xF7A;
	s5 =	simm.s32 @!p2 $0x0  }
0x1d: {  	s5 =	simm.s32 @p1 $0x1;
	p0 =	seq.s32 s7, s2  }
0x1e: {  	s7 =	smul.u32 @!p0 $0xF7A, s2;
	p2 =	seq.s32 @!p0 s5, $0x0  }
0x1f: {  	s9 =	smul.u32 $0xF7A, s1;
	s8 =	simm.s32 @!p0 $0x1BF5;
	p2 =	por !p2, p0  }
0x20: {  	[sflag:s8] =	ssyncset.s32 @!p0 $0xFFFFF086;
	s6 =	sadd.s32 @!p0 s3, s7;
	s7 =	simm.s32 @!p0 $0x108  }
0x21: {  	s3 =	sadd.s32 s3, s9;
	s6 =	sadd.s32 @!p0 $0x88, s6;
	s7 =	simm.s32 @p2 $0x1082  }
0x22: {  	[simem:s7], [sflag:s8] =	dma.local @!p0 [hbm:s6], $0xF7A  }
0x23: {  	s9 =	sor.u32 $0xD0000000, s2;
	s6 =	simm.s32 $0x108;
	_ =	swait.ge @!p0 [sflag:s8], $0x0  }
0x24: {  	s3 =	sadd.s32 $0x88, s3;
	s6 =	simm.s32 @!p1 $0x1082;
	[sflag:s4] =	ssyncset.s32 $0xFFFFF086  }
0x25: {  	[simem:s6], [sflag:s4] =	dma.local [hbm:s3], $0xF7A  }
0x26: {  	[smem:$0x3F9F] =	sst s1;
	(tag) =	ssettag s2;
	_ =	strace s9  }
0x27: {  	s1 =	sld [smem:$0x3FAF]  }
0x28: {  	s2 =	sld [smem:$0x3FB0]  }
0x29: {  	s4 =	sld [smem:$0x3FB2]  }
0x2a: {  	p0 =	seq.s32 s5, $0x0;
	s5 =	sld [smem:$0x3FB3]  }
0x2b: {  	s6 =	sld [smem:$0x3FB4]  }
0x2c: {  	s7 =	sld [smem:$0x3FB5]  }
0x2d: {  	s3 =	simm.s32 $0x108;
	s8 =	sld [smem:$0x3FB6]  }
0x2e: {  	s3 =	simm.s32 @!p0 $0x1082;
	s9 =	sld [smem:$0x3FB7]  }
0x2f: {  	lr =	sadd.s32 s0, s3;
	s0 =	sld [smem:$0x3FAE]  }
0x30: {  	s3 =	sld [smem:$0x3FB1]  }
0x31: {  	[smem:$0x3FBA] =	sst s10  }
0x32: {  	s10 =	sld [smem:$0x3FB8];
	_ =	sdelay $0x3  }
0x33: {  	p0 =	seq.s32 s10, $0x1;
	s10 =	sld [smem:$0x3FBA];
	_ =	sdelay $0x3  }
0x34: {  	[smem:$0x3FBA] =	sst s10  }
0x35: {  	s10 =	sld [smem:$0x3FB9];
	_ =	sdelay $0x3  }
0x36: {  	p1 =	seq.s32 s10, $0x1;
	s10 =	sld [smem:$0x3FBA];
	_ =	sdelay $0x3  }
0x37: {  	[smem:$0x3FBA] =	sst s10  }
0x38: {  	s10 =	sld [smem:$0x3FBB]  }
0x39: {  	_ = 	snop;
	(pc) =	sbr.ind lr, $3  }
0x3a: {  	_ = 	snop  }
0x3b: {  	_ = 	snop  }
0x3c: {  	p2 =	seq.s32 s10, $0x1;
	s10 =	sld [smem:$0x3FBA]  }
0x3d: {  	_ =	shalt  }
0x3e: {  	_ =	shalt  }
0x3f: {  	_ =	shalt  }
0x40: {  	_ =	shalt  }
0x41: {  	_ =	shalt  }
0x42: {  	_ =	shalt  }
0x43: {  	_ =	shalt  }
0x44: {  	_ =	shalt  }
0x45: {  	_ =	shalt  }
0x46: {  	_ =	shalt  }
0x47: {  	_ =	shalt  }
0x48: {  	_ =	shalt  }
0x49: {  	_ =	shalt  }
0x4a: {  	_ =	shalt  }
0x4b: {  	_ =	shalt  }
0x4c: {  	_ =	shalt  }
0x4d: {  	_ =	shalt  }
0x4e: {  	_ =	shalt  }
0x4f: {  	_ =	shalt  }
0x50: {  	_ =	shalt  }
0x51: {  	_ =	shalt  }
0x52: {  	_ =	shalt  }
0x53: {  	_ =	shalt  }
0x54: {  	_ =	shalt  }
0x55: {  	_ =	shalt  }
0x56: {  	_ =	shalt  }
0x57: {  	_ =	shalt  }
0x58: {  	_ =	shalt  }
0x59: {  	_ =	shalt  }
0x5a: {  	_ =	shalt  }
0x5b: {  	_ =	shalt  }
0x5c: {  	_ =	shalt  }
0x5d: {  	_ =	shalt  }
0x5e: {  	_ =	shalt  }
0x5f: {  	_ =	shalt  }
0x60: {  	_ =	shalt  }
0x61: {  	_ =	shalt  }
0x62: {  	_ =	shalt  }
0x63: {  	_ =	shalt  }
0x64: {  	_ =	shalt  }
0x65: {  	_ =	shalt  }
0x66: {  	_ =	shalt  }
0x67: {  	_ =	shalt  }
0x68: {  	_ =	shalt  }
0x69: {  	_ =	shalt  }
0x6a: {  	_ =	shalt  }
0x6b: {  	_ =	shalt  }
0x6c: {  	_ =	shalt  }
0x6d: {  	_ =	shalt  }
0x6e: {  	_ =	shalt  }
0x6f: {  	_ =	shalt  }
0x70: {  	_ =	shalt  }
0x71: {  	_ =	shalt  }
0x72: {  	_ =	shalt  }
0x73: {  	_ =	shalt  }
0x74: {  	_ =	shalt  }
0x75: {  	_ =	shalt  }
0x76: {  	_ =	shalt  }
0x77: {  	_ =	shalt  }
0x78: {  	_ =	shalt  }
0x79: {  	_ =	shalt  }
0x7a: {  	_ =	shalt  }
0x7b: {  	_ =	shalt  }
0x7c: {  	_ =	shalt  }
0x7d: {  	_ =	shalt  }
0x7e: {  	_ =	shalt  }
0x7f: {  	_ =	shalt  }
0x80: {  	_ =	shalt  }
0x81: {  	_ =	shalt  }
0x82: {  	_ =	shalt  }
0x83: {  	_ =	shalt  }
0x84: {  	_ =	shalt  }
0x85: {  	_ =	shalt  }
0x86: {  	_ =	shalt  }
0x87: {  	_ =	shalt  }
.Lfunc_end0:
.L_simem_size_0:
called_computation_lowered:
.L_overlay_start_0:
0x88: {  	s0 =	sld [smem:$0x3FD9]  }
0x89: {  	s1 =	sld [smem:$0x3FFE];
	_ =	sdelay $0x3  }
0x8a: {  	s0 =	sadd.s32 s1, s0  }
0x8b: {  	[smem:$0x3FC6] =	sst s0  }
0x8c: {  	_ = 	snop  }
0x8d: {  	s0 =	sld [smem:$0x3FD0];
	_ =	sdelay $0x2  }
0x8e: {  	s13 =	simm.s32 $0xA;
	s2 =	simm.s32 $0x10  }
0x8f: {  	[smem:s2], [sflag:s13] =	dma.local [hbm:s0], $0x1  }
0x90: {  	_ =	swait.eq [sflag:s13], $0x1  }
0x91: {  	[sflag:s13] =	ssyncset.done $0x0  }
0x92: {  	[sflag:s13] =	ssyncadd.s32 $0xFFFFFFFF  }
0x93: {  	s14 =	sld [smem:$0x11];
	(tm) =	ssettm $0x1  }
0x94: {  	s15 =	sld [smem:$0x3FFB];
	_ =	sdelay $0x3  }
0x95: {  	_ =	strace s15  }
0x96: {  	s1 =	sld [smem:$0x3FFC];
	_ =	sdelay $0x3  }
0x97: {  	_ =	strace s1  }
0x98: {  	s1 =	sld [smem:$0x3FFD];
	_ =	sdelay $0x3  }
0x99: {  	_ =	strace s1  }
0x9a: {  	_ =	strace $0x8FFFFFFF  }
0x9b: {  	s16 =	sld [smem:$0x3FDB];
	_ =	sdelay $0x1  }
0x9c: {  	s17 =	simm.s32 $_scs_section_size  }
0x9d: {  	s3 =	simm.s32 $_size__tile_overlayer_lowered;
	s4 =	simm.s32 $_tile_overlayer_lowered  }
0x9e: {  	s20 =	simm.s32 $0x1BFF;
	s19 =	sshll.u32 s4, $0x1;
	s1 =	sadd.s32 s17, s16  }
0x9f: {  	s5 =	simm.s32 $0x0;
	s18 =	sshll.u32 s3, $0x1;
	s3 =	sadd.s32 s19, s1  }
0xa0: {  	[timem:s5], [sflag:s20] =	dma.local [hbm:s3], s18  }
0xa1: {  	_ =	swait.ge [sflag:s20], s18  }
0xa2: {  	s2 =	ssub.s32 $0x0, s18;
	[sflag:s20] =	ssyncset.done $0x0  }
0xa3: {  	[sflag:s20] =	ssyncadd.s32 s2;
	_ =	sdelay $0x1  }
0xa4: {  	s21 =	simm.s32 $0x1B8B  }
0xa5: {  	_ =	swait.ge [sflag:s21], $0x1  }
0xa6: {  	[sflag:s21] =	ssyncset.done $0x0  }
0xa7: {  	s23 =	simm.s32 $0x1B8E;
	s22 =	sld [smem:$0x3FFE];
	[sflag:s21] =	ssyncadd.s32 $0xFFFFFFFF  }
0xa8: {  	s24 =	simm.s32 $execute0_lowered;
	[smem:$0x3FD2] =	sst s23  }
0xa9: {  	s3 =	sshll.u32 s24, $0x1;
	_ =	strace $0x80000046;
	[dreg:$0x1] =	wrdreg $0xFFFFFFFF  }
0xaa: {  	s25 =	simm.s32 $_size_execute0_lowered;
	s1 =	sadd.s32 s1, s3;
	[dreg:$0x0] =	wrdreg $0x0  }
0xab: {  	s3 =	sshll.u32 s25, $0x1;
	[dreg:$0x2] =	wrdreg s1  }
0xac: {  	[dreg:$0x3] =	wrdreg s3  }
0xad: {  	[dreg:$0x4] =	wrdreg $0xC0  }
0xae: {  	_ =	task [dreg:s5], $0x5FFFF  }
0xaf: {  	[dreg:$0x1] =	wrdreg $0xFFFFFFFF  }
0xb0: {  	[dreg:$0x0] =	wrdreg $0x60  }
0xb1: {  	[dreg:$0x2] =	wrdreg s22  }
0xb2: {  	[dreg:$0x3] =	wrdreg s14  }
0xb3: {  	[dreg:$0x4] =	wrdreg $0x9  }
0xb4: {  	_ =	task.clear_ibuf [dreg:s5], $0x5FFFF;
	_ =	strace $0x90000046  }
0xb5: {  	s26 =	simm.s32 $0x9;
	_ =	strace $0x80000048  }
0xb6: {  	_ =	swait.ge [sflag:s26], $0x1  }
0xb7: {  	[sflag:s26] =	ssyncadd.s32 $0xFFFFFFFF  }
0xb8: {  	_ =	strace $0x90000048  }
0xb9: {  	_ =	sfence  }
0xba: {  	s28 =	sld [smem:$0x0];
	_ =	sdelay $0x1  }
0xbb: {  	s29 =	srdreg.scid  }
0xbc: {  	s30 =	sshll.u32 s29, $0xD;
	s31 =	sshrl.u32 s29, $0x2  }
0xbd: {  	s2 =	sand.u32 $0x4000, s30;
	s1 =	sand.u32 $0x1, s29;
	s0 =	sadd.s32 s31, s28  }
0xbe: {  	s1 =	sor.u32 s2, s1;
	s0 =	sshll.u32 s0, $0x11  }
0xbf: {  	s0 =	sor.u32 s0, s1  }
0xc0: {  	s0 =	sadd.s32 $0x8F2B, s0  }
0xc1: {  	[sflag:s0] =	ssyncadd.remote.s32 $0x1  }
0xc2: {  	_ =	sfence.sel $0xFFFF  }
0xc3: {  	[dreg:$0x0] =	wrdreg $0xFFFFFFFF;
	(pc) =	sbr.abs _section_cstart, $3  }
0xc4: {  	[dreg:$0x1] =	wrdreg $0xFFFFFFFF  }
0xc5: {  	_ =	task.clear_ibuf [dreg:s5], $0x2FFFF;
	_ =	strace $0x9FFFFFFF  }
0xc6: {  	(tm) =	ssettm $0x7FFFFFFF  }
0xc7: {  	_ =	shalt  }
tec
execute0_lowered:
.L_overlay_start_1:
0x0: {  	(tag) =	ssettag $0x1  }
0x1: {  	s0 =	stileid.u32  }
0x2: {  	s2 =	sshrl.u32 s0, $0x3;
	s1 =	sshll.u32 s0, $0x7  }
0x3: {  	s4 =	sand.u32 $0x380, s1;
	s30 =	sshll.u32 s2, $0xA  }
0x4: {  	s5 =	rddreg [dreg:$0x0];
	s6 =	sor.u32 s4, s30  }
0x5: {  	s3 =	rddreg [dreg:$0x1];
	s7 =	simm.s32 $0x0;
	s6 =	sshrl.u32 s6, $0x3  }
0x6: {  	s31 =	simm.s32 $0x1;
	[smem:$0x7FF] =	sst s7;
	s5 =	sadd.s32 s6, s5  }
0x7: {  	s1 =	rddreg [dreg:$0x2];
	_ =	strace $0x80000047;
	s5 =	sadd.s32 $0x600, s5  }
0x8: {  	[tilespmem:s7], [sflag:$0x1] =	stream.linear.gather [hbm4b:s5+s7], $0x80, $0x38;
	[tilespmem:$0x880] =	vst v63  }
0x9: {  	_ =	swait.ge [sflag:s31], $0x80  }
0xa: {  	[sflag:s31] =	ssyncset.done $0x0  }
0xb: {  	[sflag:s31] =	ssyncadd.s32 $0xFFFFFF80  }
0xc: {  	v0 =	vld [tilespmem:$0x0];
	_ =	sdelay $0x2  }
0xd: {  	v1 =	vlaneseq.u32  }
0xe: {  	v2 =	vadd.s32 $0x1, v1;
	v3 =	vor.u32 s7, v1  }
0xf: {  	vm0 =	vlt.s32 v3, v0;
	v3 =	vadd.s32 s7, v2  }
0x10: {  	s5 =	simm.s32 $0x80;
	v3 =	vnsel vm0, $0x0, v3  }
0x11: {  	s6 =	simm.s32 $0x10;
	[tilespmem:s5+$0x0] =	vst v3  }
.LBB2_1:
0x12: {  	p0 =	sne.s32 s6, $0x7F0  }
.Ltmp0:
0x13: {  	_ = 	snop;
	(pc) =	sbr.rel @p0 .LBB2_1-.Ltmp0, $4  }
0x14: {  	v3 =	vor.u32 s6, v1;
	s7 =	smov.u32 s6  }
0x15: {  	vm0 =	vlt.s32 v3, v0;
	v3 =	vadd.s32 s7, v2  }
0x16: {  	s5 =	sadd.s32 $0x10, s5;
	v3 =	vnsel vm0, $0x0, v3  }
0x17: {  	s6 =	sadd.s32 $0x10, s6;
	[tilespmem:s5+$0x0] =	vst v3  }
0x18: {  	s2 =	sshll.u32 s2, $0xE  }
0x19: {  	s2 =	sor.u32 s4, s2  }
0x1a: {  	s29 =	simm.s32 $0x400;
	s2 =	sshrl.u32 s2, $0x3  }
0x1b: {  	s30 =	simm.s32 $0x80;
	s31 =	simm.s32 $0x1;
	s2 =	sadd.s32 s3, s2  }
0x1c: {  	[hbm4b:s2+s30] =	stream.strided.scatter [tilespmem:s30], [sflag:$0x1], $0x800, s29, s30, $0x38;
	[tilespmem:$0x880] =	vst v63  }
0x1d: {  	_ =	swait.ge [sflag:s31], $0x800  }
0x1e: {  	[sflag:s31] =	ssyncset.done $0x0  }
0x1f: {  	[sflag:s31] =	ssyncadd.s32 $0xFFFFF800  }
0x20: {  	_ =	sfence.sel $0x180000  }
0x21: {  	[bflag:$0x0] =	sbarrier.arrive $0xFFFF  }
0x22: {  	p0 =	sne.s32 s0, $0x0;
	_ =	strace $0x90000047  }
0x23: {  	s0 =	sadd.s32 @!p0 $0x100000, s1;
	[bflag:$0x2] =	sbarrier.arrive $0xFFFF  }
0x24: {  	[sflag:s0] =	ssyncadd.tile.s32 @!p0 $0x1;
	_ =	shalt  }
.Lfunc_end2:
_tile_overlayer_lowered:
.L_overlay_start_2:
0x25: {  	(tag) =	ssettag $0x2  }
0x26: {  	s0 =	rddreg [dreg:$0x0];
	s2 =	stileid.u32  }
0x27: {  	s1 =	rddreg [dreg:$0x1];
	p0 =	sne.s32 s2, $0x0  }
0x28: {  	s3 =	rddreg [dreg:$0x2];
	[bflag:$0x3] =	sbarrier.arrive $0xFFFF;
	s2 =	simm.s32 @!p0 $0x1C01  }
0x29: {  	[timem:s3], [sflag:s2] =	dma.local @!p0 [hbm:s0], s1  }
0x2a: {  	s0 =	simm.s32 @!p0 $0x1  }
0x2b: {  	_ =	swait.ge @!p0 [sflag:s0], s1  }
0x2c: {  	s1 =	ssub.s32 @!p0 $0x0, s1;
	[sflag:s0] =	ssyncset.done @!p0 $0x0  }
0x2d: {  	[sflag:s0] =	ssyncadd.s32 @!p0 s1  }
0x2e: {  	[bflag:$0x3] =	sbarrier.arrive $0xFFFF  }
0x2f: {  	_ =	shalt  }

</sc_bundles>
